<compile_context>
chip_gen: v7x
topology: tpu7x:2x2x1
jax: 0.10.2.dev20260603
libtpu: 0.0.44.dev20260713+nightly
codegen_flags: <defaults>
</compile_context>

<pallas_src>
import functools

import jax
import jax.numpy as jnp
from jax import lax
from jax.experimental import pallas as pl
from jax.experimental.pallas import tpu as pltpu
from jax.experimental.pallas import tpu_sc as plsc

_HID = 1024
_NC = 2
_NS = 16
_NW = _NC * _NS
_C = 32
_R = 16
_V = 16


def kernel(segments, table):
    batch, seq = segments.shape
    n = batch * seq
    b_per_w = n // _NW
    nch = b_per_w // _C
    idx = segments.reshape(n).astype(jnp.int32)
    rep_table = jnp.broadcast_to(table[None, None], (_NW, _R, 2, _HID))
    rep_table = rep_table.reshape(_NW, _R * 2, _HID)
    spread = jnp.tile(2 * jnp.arange(_R, dtype=jnp.int32), _V // _R)
    mesh = plsc.VectorSubcoreMesh(core_axis_name="c", subcore_axis_name="s")

    @functools.partial(
        pl.kernel,
        mesh=mesh,
        out_type=jax.ShapeDtypeStruct((n, _HID), jnp.float32),
        scratch_types=[
            pltpu.VMEM((b_per_w,), jnp.int32),
            pltpu.VMEM((_V,), jnp.int32),
            pltpu.VMEM((_C, _HID), jnp.float32),
            pltpu.VMEM((_C, _HID), jnp.float32),
            pltpu.SemaphoreType.DMA,
            pltpu.SemaphoreType.DMA,
            pltpu.SemaphoreType.DMA,
            pltpu.SemaphoreType.DMA,
        ],
    )
    def gather_kernel(rep_hbm, idx_hbm, spread_hbm, out_hbm, idx_v, spr_v,
                      rows0, rows1, gsem0, gsem1, wsem0, wsem1):
        wid = lax.axis_index("s") * _NC + lax.axis_index("c")
        base = wid * b_per_w
        tab_hbm = rep_hbm.at[wid]
        pltpu.sync_copy(spread_hbm, spr_v)
        pltpu.sync_copy(idx_hbm.at[pl.ds(base, b_per_w)], idx_v)
        spr = spr_v[...]

        @pl.loop(0, b_per_w, step=_V)
        def _(i):
            idx_v.at[pl.ds(i, _V)][...] = idx_v.at[pl.ds(i, _V)][...] + spr

        def gather(j, rows, gsem):
            return pltpu.async_copy(
                tab_hbm.at[idx_v.at[pl.ds(j * _C, _C)]], rows, gsem)

        def write(j, rows, wsem):
            return pltpu.async_copy(
                rows, out_hbm.at[pl.ds(base + j * _C, _C)], wsem)

        def wait_write(rows, wsem):
            pltpu.make_async_copy(
                rows, out_hbm.at[pl.ds(base, _C)], wsem).wait()

        gather(0, rows0, gsem0).wait()
        write(0, rows0, wsem0)
        gather(1, rows1, gsem1).wait()
        write(1, rows1, wsem1)

        @pl.loop(2, nch, step=2)
        def _(j):
            wait_write(rows0, wsem0)
            gather(j, rows0, gsem0).wait()
            write(j, rows0, wsem0)
            wait_write(rows1, wsem1)
            gather(j + 1, rows1, gsem1).wait()
            write(j + 1, rows1, wsem1)

        wait_write(rows0, wsem0)
        wait_write(rows1, wsem1)

    return gather_kernel(rep_table, idx, spread).reshape(batch, seq, _HID)

# --- scband reference (transcript-rebuilt; emitter-appended) ---
"""Pipeline reference for scband-segment-embedding-56805237457350 (READ-ONLY COPY).

The authoritative reference and input builder live on the scoring server;
editing this copy changes nothing except your own understanding.
"""

import jax, jax.numpy as jnp
import numpy as np

HIDDEN_SIZE = 1024
BATCH = 4
SEQ_LEN = 8192


def setup_inputs(seed: int = 0) -> dict:
    key = jax.random.key(seed)
    k_seg, k_tab = jax.random.split(key)
    segments = jax.random.randint(k_seg, (BATCH, SEQ_LEN), 0, 2, dtype=jnp.int64 if jax.config.jax_enable_x64 else jnp.int32)
    table = jax.random.normal(k_tab, (2, HIDDEN_SIZE), dtype=jnp.float32)
    return {"segments": segments, "table": table}


def reference(segments, table):
    # nn.Embedding lookup: gather rows of the (2, hidden_size) table
    return jnp.take(table, segments, axis=0)

if __name__ == "__main__":
    import jax
    _d = setup_inputs()
    print(jax.jit(kernel)(*tuple(_d.values())))

</pallas_src>

<mosaic_0001>
#map = affine_map<(d0, d1) -> (0, 0, 0)>
#map1 = affine_map<(d0, d1) -> (0)>
#map2 = affine_map<(d0, d1) -> (0, 0)>
module attributes {stable_mosaic.version = 14 : i64} {
  func.func @gather_kernel(%arg0: i32, %arg1: i32, %arg2: memref<32x32x1024xf32, #tpu.memory_space<hbm>>, %arg3: memref<32768xi32, #tpu.memory_space<hbm>>, %arg4: memref<16xi32, #tpu.memory_space<hbm>>, %arg5: memref<32768x1024xf32, #tpu.memory_space<hbm>>, %arg6: memref<1024xi32, #tpu.memory_space<vmem>>, %arg7: memref<16xi32, #tpu.memory_space<vmem>>, %arg8: memref<32x1024xf32, #tpu.memory_space<vmem>>, %arg9: memref<32x1024xf32, #tpu.memory_space<vmem>>, %arg10: memref<!tpu.dma_semaphore, #tpu.memory_space<semaphore_mem>>, %arg11: memref<!tpu.dma_semaphore, #tpu.memory_space<semaphore_mem>>, %arg12: memref<!tpu.dma_semaphore, #tpu.memory_space<semaphore_mem>>, %arg13: memref<!tpu.dma_semaphore, #tpu.memory_space<semaphore_mem>>) attributes {dimension_semantics = [#tpu.dimension_semantics<core_parallel>, #tpu.dimension_semantics<subcore_parallel>], iteration_bounds = array<i64: 2, 16>, scalar_prefetch = 0 : i64, scratch_operands = 8 : i64, tpu.core_type = #tpu.core_type<sc_vector_subcore>, window_params = [{transform_indices = #map}, {transform_indices = #map1}, {transform_indices = #map1}, {transform_indices = #map2}]} {
    %mul3A = arith.constant 2 : i32
    %mul3A_0 = arith.muli %arg1, %mul3A : i32
    %add3A = arith.addi %mul3A_0, %arg0 : i32
    %mul3A_1 = arith.constant 1024 : i32
    %mul3A_2 = arith.muli %add3A, %mul3A_1 : i32
    "tpu.region"() ({
      %run_scoped3A = tpu.sem_alloc : memref<!tpu.dma_semaphore, #tpu.memory_space<semaphore_mem>>
      tpu.enqueue_dma source(%arg4 : memref<16xi32, #tpu.memory_space<hbm>>) target(%arg7 : memref<16xi32, #tpu.memory_space<vmem>>) target_semaphore(%run_scoped3A : memref<!tpu.dma_semaphore, #tpu.memory_space<semaphore_mem>>)
      tpu.wait_dma2 semaphore(%run_scoped3A : memref<!tpu.dma_semaphore, #tpu.memory_space<semaphore_mem>>) src(%arg4 : memref<16xi32, #tpu.memory_space<hbm>>) dst(%arg7 : memref<16xi32, #tpu.memory_space<vmem>>)
      tpu.yield
    }) : () -> ()
    "tpu.region"() ({
      %run_scoped3A = tpu.sem_alloc : memref<!tpu.dma_semaphore, #tpu.memory_space<semaphore_mem>>
      %dma_start3A_68 = tpu.memref_slice %arg3[%mul3A_2] : memref<32768xi32, #tpu.memory_space<hbm>> -> memref<1024xi32, #tpu.memory_space<hbm>>
      %dma_start3A_69 = tpu.memref_slice %arg3[%mul3A_2] : memref<32768xi32, #tpu.memory_space<hbm>> -> memref<1024xi32, #tpu.memory_space<hbm>>
      tpu.enqueue_dma source(%dma_start3A_69 : memref<1024xi32, #tpu.memory_space<hbm>>) target(%arg6 : memref<1024xi32, #tpu.memory_space<vmem>>) target_semaphore(%run_scoped3A : memref<!tpu.dma_semaphore, #tpu.memory_space<semaphore_mem>>)
      %dma_wait3A_70 = tpu.memref_slice %arg3[%mul3A_2] : memref<32768xi32, #tpu.memory_space<hbm>> -> memref<1024xi32, #tpu.memory_space<hbm>>
      %dma_wait3A_71 = tpu.memref_slice %arg3[%mul3A_2] : memref<32768xi32, #tpu.memory_space<hbm>> -> memref<1024xi32, #tpu.memory_space<hbm>>
      tpu.wait_dma2 semaphore(%run_scoped3A : memref<!tpu.dma_semaphore, #tpu.memory_space<semaphore_mem>>) src(%dma_wait3A_71 : memref<1024xi32, #tpu.memory_space<hbm>>) dst(%arg6 : memref<1024xi32, #tpu.memory_space<vmem>>)
      tpu.yield
    }) : () -> ()
    %get3A = arith.constant 0 : index
    %get3A_3 = tpu.vector_load %arg7[%get3A] {strides = array<i32>} : memref<16xi32, #tpu.memory_space<vmem>>, vector<16xi32>,
    %get3A_4 = vector.shape_cast %get3A_3 : vector<16xi32> to vector<16xi32>
    %scan3A = arith.constant 0 : i32
    %scan3A_5 = arith.constant 64 : i32
    %scan3A_6 = arith.addi %scan3A, %scan3A_5 : i32
    %scan3A_7 = arith.constant 1 : i32
    scf.for %scan3A_68 = %scan3A to %scan3A_6 step %scan3A_7  : i32 {
      %mul3A_69 = arith.constant 16 : i32
      %mul3A_70 = arith.muli %scan3A_68, %mul3A_69 : i32
      %add3A_71 = arith.constant 0 : i32
      %add3A_72 = arith.addi %add3A_71, %mul3A_70 : i32
      %get3A_73 = arith.index_cast %add3A_72 : i32 to index
      %get3A_74 = tpu.vector_load %arg6[%get3A_73] {strides = array<i32>} : memref<1024xi32, #tpu.memory_space<vmem>>, vector<16xi32>,
      %get3A_75 = vector.shape_cast %get3A_74 : vector<16xi32> to vector<16xi32>
      %add3A_76 = arith.addi %get3A_75, %get3A_4 : vector<16xi32>
      %swap3A = arith.index_cast %add3A_72 : i32 to index
      %swap3A_77 = tpu.vector_load %arg6[%swap3A] {strides = array<i32>} : memref<1024xi32, #tpu.memory_space<vmem>>, vector<16xi32>,
      %swap3A_78 = vector.shape_cast %swap3A_77 : vector<16xi32> to vector<16xi32>
      %swap3A_79 = vector.shape_cast %add3A_76 : vector<16xi32> to vector<16xi32>
      tpu.vector_store %arg6[%swap3A], %swap3A_79 {strides = array<i32>} : memref<1024xi32, #tpu.memory_space<vmem>>, vector<16xi32>,
    }
    %scan3A_8 = arith.constant 64 : i32
    %dma_start3A = arith.constant 0 : i32
    %dma_start3A_9 = tpu.memref_slice %arg6[%dma_start3A] : memref<1024xi32, #tpu.memory_space<vmem>> -> memref<32xi32, #tpu.memory_space<vmem>>
    %dma_start3A_10 = arith.constant 0 : i32
    %dma_start3A_11 = arith.constant 0 : i32
    %dma_start3A_12 = tpu.memref_slice %arg2[%add3A, %dma_start3A_10, %dma_start3A_11] : memref<32x32x1024xf32, #tpu.memory_space<hbm>> -> memref<1x32x1024xf32, #tpu.memory_space<hbm>>
    %dma_start3A_13 = tpu.memref_squeeze %dma_start3A_12 : memref<1x32x1024xf32, #tpu.memory_space<hbm>> -> memref<32x1024xf32, #tpu.memory_space<hbm>>
    %dma_start3A_14 = arith.constant 0 : i32
    %dma_start3A_15 = arith.constant 0 : i32
    %dma_start3A_16 = tpu.memref_slice %dma_start3A_13[%dma_start3A_14, %dma_start3A_15] : memref<32x1024xf32, #tpu.memory_space<hbm>> -> memref<32x1024xf32, #tpu.memory_space<hbm>>
    tpu.enqueue_indirect_dma source(%dma_start3A_16 : memref<32x1024xf32, #tpu.memory_space<hbm>>) target(%arg8 : memref<32x1024xf32, #tpu.memory_space<vmem>>) offsets(%dma_start3A_9 : memref<32xi32, #tpu.memory_space<vmem>>) semaphore(%arg10 : memref<!tpu.dma_semaphore, #tpu.memory_space<semaphore_mem>>)
    %dma_wait3A = arith.constant 0 : i32
    %dma_wait3A_17 = tpu.memref_slice %arg6[%dma_wait3A] : memref<1024xi32, #tpu.memory_space<vmem>> -> memref<32xi32, #tpu.memory_space<vmem>>
    %dma_wait3A_18 = arith.constant 0 : i32
    %dma_wait3A_19 = arith.constant 0 : i32
    %dma_wait3A_20 = tpu.memref_slice %arg2[%add3A, %dma_wait3A_18, %dma_wait3A_19] : memref<32x32x1024xf32, #tpu.memory_space<hbm>> -> memref<1x32x1024xf32, #tpu.memory_space<hbm>>
    %dma_wait3A_21 = tpu.memref_squeeze %dma_wait3A_20 : memref<1x32x1024xf32, #tpu.memory_space<hbm>> -> memref<32x1024xf32, #tpu.memory_space<hbm>>
    %dma_wait3A_22 = arith.constant 0 : i32
    %dma_wait3A_23 = arith.constant 0 : i32
    %dma_wait3A_24 = tpu.memref_slice %dma_wait3A_21[%dma_wait3A_22, %dma_wait3A_23] : memref<32x1024xf32, #tpu.memory_space<hbm>> -> memref<32x1024xf32, #tpu.memory_space<hbm>>
    tpu.wait_indirect_dma semaphore(%arg10 : memref<!tpu.dma_semaphore, #tpu.memory_space<semaphore_mem>>) src(%dma_wait3A_24 : memref<32x1024xf32, #tpu.memory_space<hbm>>) dst(%arg8 : memref<32x1024xf32, #tpu.memory_space<vmem>>)
    %add3A_25 = arith.constant 0 : i32
    %add3A_26 = arith.addi %mul3A_2, %add3A_25 : i32
    %dma_start3A_27 = arith.constant 0 : i32
    %dma_start3A_28 = tpu.memref_slice %arg5[%add3A_26, %dma_start3A_27] : memref<32768x1024xf32, #tpu.memory_space<hbm>> -> memref<32x1024xf32, #tpu.memory_space<hbm>>
    %dma_start3A_29 = arith.constant 0 : i32
    %dma_start3A_30 = tpu.memref_slice %arg5[%add3A_26, %dma_start3A_29] : memref<32768x1024xf32, #tpu.memory_space<hbm>> -> memref<32x1024xf32, #tpu.memory_space<hbm>>
    tpu.enqueue_dma source(%arg8 : memref<32x1024xf32, #tpu.memory_space<vmem>>) target(%dma_start3A_30 : memref<32x1024xf32, #tpu.memory_space<hbm>>) target_semaphore(%arg12 : memref<!tpu.dma_semaphore, #tpu.memory_space<semaphore_mem>>)
    %dma_start3A_31 = arith.constant 32 : i32
    %dma_start3A_32 = tpu.memref_slice %arg6[%dma_start3A_31] : memref<1024xi32, #tpu.memory_space<vmem>> -> memref<32xi32, #tpu.memory_space<vmem>>
    %dma_start3A_33 = arith.constant 0 : i32
    %dma_start3A_34 = arith.constant 0 : i32
    %dma_start3A_35 = tpu.memref_slice %arg2[%add3A, %dma_start3A_33, %dma_start3A_34] : memref<32x32x1024xf32, #tpu.memory_space<hbm>> -> memref<1x32x1024xf32, #tpu.memory_space<hbm>>
    %dma_start3A_36 = tpu.memref_squeeze %dma_start3A_35 : memref<1x32x1024xf32, #tpu.memory_space<hbm>> -> memref<32x1024xf32, #tpu.memory_space<hbm>>
    %dma_start3A_37 = arith.constant 0 : i32
    %dma_start3A_38 = arith.constant 0 : i32
    %dma_start3A_39 = tpu.memref_slice %dma_start3A_36[%dma_start3A_37, %dma_start3A_38] : memref<32x1024xf32, #tpu.memory_space<hbm>> -> memref<32x1024xf32, #tpu.memory_space<hbm>>
    tpu.enqueue_indirect_dma source(%dma_start3A_39 : memref<32x1024xf32, #tpu.memory_space<hbm>>) target(%arg9 : memref<32x1024xf32, #tpu.memory_space<vmem>>) offsets(%dma_start3A_32 : memref<32xi32, #tpu.memory_space<vmem>>) semaphore(%arg11 : memref<!tpu.dma_semaphore, #tpu.memory_space<semaphore_mem>>)
    %dma_wait3A_40 = arith.constant 32 : i32
    %dma_wait3A_41 = tpu.memref_slice %arg6[%dma_wait3A_40] : memref<1024xi32, #tpu.memory_space<vmem>> -> memref<32xi32, #tpu.memory_space<vmem>>
    %dma_wait3A_42 = arith.constant 0 : i32
    %dma_wait3A_43 = arith.constant 0 : i32
    %dma_wait3A_44 = tpu.memref_slice %arg2[%add3A, %dma_wait3A_42, %dma_wait3A_43] : memref<32x32x1024xf32, #tpu.memory_space<hbm>> -> memref<1x32x1024xf32, #tpu.memory_space<hbm>>
    %dma_wait3A_45 = tpu.memref_squeeze %dma_wait3A_44 : memref<1x32x1024xf32, #tpu.memory_space<hbm>> -> memref<32x1024xf32, #tpu.memory_space<hbm>>
    %dma_wait3A_46 = arith.constant 0 : i32
    %dma_wait3A_47 = arith.constant 0 : i32
    %dma_wait3A_48 = tpu.memref_slice %dma_wait3A_45[%dma_wait3A_46, %dma_wait3A_47] : memref<32x1024xf32, #tpu.memory_space<hbm>> -> memref<32x1024xf32, #tpu.memory_space<hbm>>
    tpu.wait_indirect_dma semaphore(%arg11 : memref<!tpu.dma_semaphore, #tpu.memory_space<semaphore_mem>>) src(%dma_wait3A_48 : memref<32x1024xf32, #tpu.memory_space<hbm>>) dst(%arg9 : memref<32x1024xf32, #tpu.memory_space<vmem>>)
    %add3A_49 = arith.constant 32 : i32
    %add3A_50 = arith.addi %mul3A_2, %add3A_49 : i32
    %dma_start3A_51 = arith.constant 0 : i32
    %dma_start3A_52 = tpu.memref_slice %arg5[%add3A_50, %dma_start3A_51] : memref<32768x1024xf32, #tpu.memory_space<hbm>> -> memref<32x1024xf32, #tpu.memory_space<hbm>>
    %dma_start3A_53 = arith.constant 0 : i32
    %dma_start3A_54 = tpu.memref_slice %arg5[%add3A_50, %dma_start3A_53] : memref<32768x1024xf32, #tpu.memory_space<hbm>> -> memref<32x1024xf32, #tpu.memory_space<hbm>>
    tpu.enqueue_dma source(%arg9 : memref<32x1024xf32, #tpu.memory_space<vmem>>) target(%dma_start3A_54 : memref<32x1024xf32, #tpu.memory_space<hbm>>) target_semaphore(%arg13 : memref<!tpu.dma_semaphore, #tpu.memory_space<semaphore_mem>>)
    %scan3A_55 = arith.constant 0 : i32
    %scan3A_56 = arith.constant 15 : i32
    %scan3A_57 = arith.addi %scan3A_55, %scan3A_56 : i32
    %scan3A_58 = arith.constant 1 : i32
    scf.for %scan3A_68 = %scan3A_55 to %scan3A_57 step %scan3A_58  : i32 {
      %mul3A_69 = arith.constant 2 : i32
      %mul3A_70 = arith.muli %scan3A_68, %mul3A_69 : i32
      %add3A_71 = arith.constant 2 : i32
      %add3A_72 = arith.addi %add3A_71, %mul3A_70 : i32
      %dma_wait3A_73 = arith.constant 0 : i32
      %dma_wait3A_74 = tpu.memref_slice %arg5[%mul3A_2, %dma_wait3A_73] : memref<32768x1024xf32, #tpu.memory_space<hbm>> -> memref<32x1024xf32, #tpu.memory_space<hbm>>
      %dma_wait3A_75 = arith.constant 0 : i32
      %dma_wait3A_76 = tpu.memref_slice %arg5[%mul3A_2, %dma_wait3A_75] : memref<32768x1024xf32, #tpu.memory_space<hbm>> -> memref<32x1024xf32, #tpu.memory_space<hbm>>
      tpu.wait_dma2 semaphore(%arg12 : memref<!tpu.dma_semaphore, #tpu.memory_space<semaphore_mem>>) src(%arg8 : memref<32x1024xf32, #tpu.memory_space<vmem>>) dst(%dma_wait3A_76 : memref<32x1024xf32, #tpu.memory_space<hbm>>)
      %mul3A_77 = arith.constant 32 : i32
      %mul3A_78 = arith.muli %add3A_72, %mul3A_77 : i32
      %dma_start3A_79 = tpu.memref_slice %arg6[%mul3A_78] : memref<1024xi32, #tpu.memory_space<vmem>> -> memref<32xi32, #tpu.memory_space<vmem>>
      %dma_start3A_80 = arith.constant 0 : i32
      %dma_start3A_81 = arith.constant 0 : i32
      %dma_start3A_82 = tpu.memref_slice %arg2[%add3A, %dma_start3A_80, %dma_start3A_81] : memref<32x32x1024xf32, #tpu.memory_space<hbm>> -> memref<1x32x1024xf32, #tpu.memory_space<hbm>>
      %dma_start3A_83 = tpu.memref_squeeze %dma_start3A_82 : memref<1x32x1024xf32, #tpu.memory_space<hbm>> -> memref<32x1024xf32, #tpu.memory_space<hbm>>
      %dma_start3A_84 = arith.constant 0 : i32
      %dma_start3A_85 = arith.constant 0 : i32
      %dma_start3A_86 = tpu.memref_slice %dma_start3A_83[%dma_start3A_84, %dma_start3A_85] : memref<32x1024xf32, #tpu.memory_space<hbm>> -> memref<32x1024xf32, #tpu.memory_space<hbm>>
      tpu.enqueue_indirect_dma source(%dma_start3A_86 : memref<32x1024xf32, #tpu.memory_space<hbm>>) target(%arg8 : memref<32x1024xf32, #tpu.memory_space<vmem>>) offsets(%dma_start3A_79 : memref<32xi32, #tpu.memory_space<vmem>>) semaphore(%arg10 : memref<!tpu.dma_semaphore, #tpu.memory_space<semaphore_mem>>)
      %dma_wait3A_87 = tpu.memref_slice %arg6[%mul3A_78] : memref<1024xi32, #tpu.memory_space<vmem>> -> memref<32xi32, #tpu.memory_space<vmem>>
      %dma_wait3A_88 = arith.constant 0 : i32
      %dma_wait3A_89 = arith.constant 0 : i32
      %dma_wait3A_90 = tpu.memref_slice %arg2[%add3A, %dma_wait3A_88, %dma_wait3A_89] : memref<32x32x1024xf32, #tpu.memory_space<hbm>> -> memref<1x32x1024xf32, #tpu.memory_space<hbm>>
      %dma_wait3A_91 = tpu.memref_squeeze %dma_wait3A_90 : memref<1x32x1024xf32, #tpu.memory_space<hbm>> -> memref<32x1024xf32, #tpu.memory_space<hbm>>
      %dma_wait3A_92 = arith.constant 0 : i32
      %dma_wait3A_93 = arith.constant 0 : i32
      %dma_wait3A_94 = tpu.memref_slice %dma_wait3A_91[%dma_wait3A_92, %dma_wait3A_93] : memref<32x1024xf32, #tpu.memory_space<hbm>> -> memref<32x1024xf32, #tpu.memory_space<hbm>>
      tpu.wait_indirect_dma semaphore(%arg10 : memref<!tpu.dma_semaphore, #tpu.memory_space<semaphore_mem>>) src(%dma_wait3A_94 : memref<32x1024xf32, #tpu.memory_space<hbm>>) dst(%arg8 : memref<32x1024xf32, #tpu.memory_space<vmem>>)
      %mul3A_95 = arith.constant 32 : i32
      %mul3A_96 = arith.muli %add3A_72, %mul3A_95 : i32
      %add3A_97 = arith.addi %mul3A_2, %mul3A_96 : i32
      %dma_start3A_98 = arith.constant 0 : i32
      %dma_start3A_99 = tpu.memref_slice %arg5[%add3A_97, %dma_start3A_98] : memref<32768x1024xf32, #tpu.memory_space<hbm>> -> memref<32x1024xf32, #tpu.memory_space<hbm>>
      %dma_start3A_100 = arith.constant 0 : i32
      %dma_start3A_101 = tpu.memref_slice %arg5[%add3A_97, %dma_start3A_100] : memref<32768x1024xf32, #tpu.memory_space<hbm>> -> memref<32x1024xf32, #tpu.memory_space<hbm>>
      tpu.enqueue_dma source(%arg8 : memref<32x1024xf32, #tpu.memory_space<vmem>>) target(%dma_start3A_101 : memref<32x1024xf32, #tpu.memory_space<hbm>>) target_semaphore(%arg12 : memref<!tpu.dma_semaphore, #tpu.memory_space<semaphore_mem>>)
      %dma_wait3A_102 = arith.constant 0 : i32
      %dma_wait3A_103 = tpu.memref_slice %arg5[%mul3A_2, %dma_wait3A_102] : memref<32768x1024xf32, #tpu.memory_space<hbm>> -> memref<32x1024xf32, #tpu.memory_space<hbm>>
      %dma_wait3A_104 = arith.constant 0 : i32
      %dma_wait3A_105 = tpu.memref_slice %arg5[%mul3A_2, %dma_wait3A_104] : memref<32768x1024xf32, #tpu.memory_space<hbm>> -> memref<32x1024xf32, #tpu.memory_space<hbm>>
      tpu.wait_dma2 semaphore(%arg13 : memref<!tpu.dma_semaphore, #tpu.memory_space<semaphore_mem>>) src(%arg9 : memref<32x1024xf32, #tpu.memory_space<vmem>>) dst(%dma_wait3A_105 : memref<32x1024xf32, #tpu.memory_space<hbm>>)
      %add3A_106 = arith.constant 1 : i32
      %add3A_107 = arith.addi %add3A_72, %add3A_106 : i32
      %mul3A_108 = arith.constant 32 : i32
      %mul3A_109 = arith.muli %add3A_107, %mul3A_108 : i32
      %dma_start3A_110 = tpu.memref_slice %arg6[%mul3A_109] : memref<1024xi32, #tpu.memory_space<vmem>> -> memref<32xi32, #tpu.memory_space<vmem>>
      %dma_start3A_111 = arith.constant 0 : i32
      %dma_start3A_112 = arith.constant 0 : i32
      %dma_start3A_113 = tpu.memref_slice %arg2[%add3A, %dma_start3A_111, %dma_start3A_112] : memref<32x32x1024xf32, #tpu.memory_space<hbm>> -> memref<1x32x1024xf32, #tpu.memory_space<hbm>>
      %dma_start3A_114 = tpu.memref_squeeze %dma_start3A_113 : memref<1x32x1024xf32, #tpu.memory_space<hbm>> -> memref<32x1024xf32, #tpu.memory_space<hbm>>
      %dma_start3A_115 = arith.constant 0 : i32
      %dma_start3A_116 = arith.constant 0 : i32
      %dma_start3A_117 = tpu.memref_slice %dma_start3A_114[%dma_start3A_115, %dma_start3A_116] : memref<32x1024xf32, #tpu.memory_space<hbm>> -> memref<32x1024xf32, #tpu.memory_space<hbm>>
      tpu.enqueue_indirect_dma source(%dma_start3A_117 : memref<32x1024xf32, #tpu.memory_space<hbm>>) target(%arg9 : memref<32x1024xf32, #tpu.memory_space<vmem>>) offsets(%dma_start3A_110 : memref<32xi32, #tpu.memory_space<vmem>>) semaphore(%arg11 : memref<!tpu.dma_semaphore, #tpu.memory_space<semaphore_mem>>)
      %dma_wait3A_118 = tpu.memref_slice %arg6[%mul3A_109] : memref<1024xi32, #tpu.memory_space<vmem>> -> memref<32xi32, #tpu.memory_space<vmem>>
      %dma_wait3A_119 = arith.constant 0 : i32
      %dma_wait3A_120 = arith.constant 0 : i32
      %dma_wait3A_121 = tpu.memref_slice %arg2[%add3A, %dma_wait3A_119, %dma_wait3A_120] : memref<32x32x1024xf32, #tpu.memory_space<hbm>> -> memref<1x32x1024xf32, #tpu.memory_space<hbm>>
      %dma_wait3A_122 = tpu.memref_squeeze %dma_wait3A_121 : memref<1x32x1024xf32, #tpu.memory_space<hbm>> -> memref<32x1024xf32, #tpu.memory_space<hbm>>
      %dma_wait3A_123 = arith.constant 0 : i32
      %dma_wait3A_124 = arith.constant 0 : i32
      %dma_wait3A_125 = tpu.memref_slice %dma_wait3A_122[%dma_wait3A_123, %dma_wait3A_124] : memref<32x1024xf32, #tpu.memory_space<hbm>> -> memref<32x1024xf32, #tpu.memory_space<hbm>>
      tpu.wait_indirect_dma semaphore(%arg11 : memref<!tpu.dma_semaphore, #tpu.memory_space<semaphore_mem>>) src(%dma_wait3A_125 : memref<32x1024xf32, #tpu.memory_space<hbm>>) dst(%arg9 : memref<32x1024xf32, #tpu.memory_space<vmem>>)
      %add3A_126 = arith.constant 1 : i32
      %add3A_127 = arith.addi %add3A_72, %add3A_126 : i32
      %mul3A_128 = arith.constant 32 : i32
      %mul3A_129 = arith.muli %add3A_127, %mul3A_128 : i32
      %add3A_130 = arith.addi %mul3A_2, %mul3A_129 : i32
      %dma_start3A_131 = arith.constant 0 : i32
      %dma_start3A_132 = tpu.memref_slice %arg5[%add3A_130, %dma_start3A_131] : memref<32768x1024xf32, #tpu.memory_space<hbm>> -> memref<32x1024xf32, #tpu.memory_space<hbm>>
      %dma_start3A_133 = arith.constant 0 : i32
      %dma_start3A_134 = tpu.memref_slice %arg5[%add3A_130, %dma_start3A_133] : memref<32768x1024xf32, #tpu.memory_space<hbm>> -> memref<32x1024xf32, #tpu.memory_space<hbm>>
      tpu.enqueue_dma source(%arg9 : memref<32x1024xf32, #tpu.memory_space<vmem>>) target(%dma_start3A_134 : memref<32x1024xf32, #tpu.memory_space<hbm>>) target_semaphore(%arg13 : memref<!tpu.dma_semaphore, #tpu.memory_space<semaphore_mem>>)
    }
    %scan3A_59 = arith.constant 15 : i32
    %dma_wait3A_60 = arith.constant 0 : i32
    %dma_wait3A_61 = tpu.memref_slice %arg5[%mul3A_2, %dma_wait3A_60] : memref<32768x1024xf32, #tpu.memory_space<hbm>> -> memref<32x1024xf32, #tpu.memory_space<hbm>>
    %dma_wait3A_62 = arith.constant 0 : i32
    %dma_wait3A_63 = tpu.memref_slice %arg5[%mul3A_2, %dma_wait3A_62] : memref<32768x1024xf32, #tpu.memory_space<hbm>> -> memref<32x1024xf32, #tpu.memory_space<hbm>>
    tpu.wait_dma2 semaphore(%arg12 : memref<!tpu.dma_semaphore, #tpu.memory_space<semaphore_mem>>) src(%arg8 : memref<32x1024xf32, #tpu.memory_space<vmem>>) dst(%dma_wait3A_63 : memref<32x1024xf32, #tpu.memory_space<hbm>>)
    %dma_wait3A_64 = arith.constant 0 : i32
    %dma_wait3A_65 = tpu.memref_slice %arg5[%mul3A_2, %dma_wait3A_64] : memref<32768x1024xf32, #tpu.memory_space<hbm>> -> memref<32x1024xf32, #tpu.memory_space<hbm>>
    %dma_wait3A_66 = arith.constant 0 : i32
    %dma_wait3A_67 = tpu.memref_slice %arg5[%mul3A_2, %dma_wait3A_66] : memref<32768x1024xf32, #tpu.memory_space<hbm>> -> memref<32x1024xf32, #tpu.memory_space<hbm>>
    tpu.wait_dma2 semaphore(%arg13 : memref<!tpu.dma_semaphore, #tpu.memory_space<semaphore_mem>>) src(%arg9 : memref<32x1024xf32, #tpu.memory_space<vmem>>) dst(%dma_wait3A_67 : memref<32x1024xf32, #tpu.memory_space<hbm>>)
    return
  }
}

</mosaic_0001>

<sc_bundles>
// kernel: kernel.3.cloned.1.call-start
scs
__scs_entry_jumppad:
0x0: {  	(pc) =	sbr.rel $0x88, $3  }
0x1: {  	(tag) =	ssettag $0x0;
	lr =	simm.s32 $0x1  }
0x2: {  	[smem:$0x3F9F] =	sst lr;
	_ =	strace $0xD0000000  }
0x3: {  	_ = 	snop  }
0x4: {  	_ = 	snop  }
0x5: {  	_ = 	snop  }
0x6: {  	_ = 	snop  }
0x7: {  	_ = 	snop  }
__scs_overlays_trampoline_lowered:
0x8: {  	[smem:$0x3FAE] =	sst s0  }
0x9: {  	[smem:$0x3FAF] =	sst s1  }
0xa: {  	[smem:$0x3FB0] =	sst s2  }
0xb: {  	[smem:$0x3FB1] =	sst s3  }
0xc: {  	[smem:$0x3FB2] =	sst s4  }
0xd: {  	[smem:$0x3FB3] =	sst s5  }
0xe: {  	[smem:$0x3FB4] =	sst s6  }
0xf: {  	[smem:$0x3FB5] =	sst s7  }
0x10: {  	[smem:$0x3FB6] =	sst s8  }
0x11: {  	[smem:$0x3FB7] =	sst s9;
	s0 =	simm.s32 @!p0 $0x0  }
0x12: {  	s1 =	sld [smem:$0x3F9D];
	s0 =	simm.s32 @p0 $0x1  }
0x13: {  	[smem:$0x3FB8] =	sst s0;
	s0 =	simm.s32 @!p1 $0x0  }
0x14: {  	s2 =	sld [smem:$0x3F9C];
	s0 =	simm.s32 @p1 $0x1  }
0x15: {  	[smem:$0x3FB9] =	sst s0;
	s0 =	simm.s32 @!p2 $0x0  }
0x16: {  	s3 =	sld [smem:$0x3FDB];
	s0 =	simm.s32 @p2 $0x1  }
0x17: {  	s4 =	simm.s32 $0x1BF5;
	[smem:$0x3FBB] =	sst s0  }
0x18: {  	s0 =	sld [smem:$0x3F9E];
	_ =	swait.ge [sflag:s4], $0x0  }
0x19: {  	s7 =	sld [smem:$0x3F9F]  }
0x1a: {  	s8 =	sadd.s32 $0xFFFFE003, lr  }
0x1b: {  	s9 =	sadd.s32 $0xFFFFFEF7, lr;
	s5 =	simm.s32 $0xFFFFFFFF;
	p2 =	slt.u32 s8, $0xFFFFF086  }
0x1c: {  	p1 =	slt.u32 s9, $0xF7A;
	s5 =	simm.s32 @!p2 $0x0  }
0x1d: {  	s5 =	simm.s32 @p1 $0x1;
	p0 =	seq.s32 s7, s2  }
0x1e: {  	s7 =	smul.u32 @!p0 $0xF7A, s2;
	p2 =	seq.s32 @!p0 s5, $0x0  }
0x1f: {  	s9 =	smul.u32 $0xF7A, s1;
	s8 =	simm.s32 @!p0 $0x1BF5;
	p2 =	por !p2, p0  }
0x20: {  	[sflag:s8] =	ssyncset.s32 @!p0 $0xFFFFF086;
	s6 =	sadd.s32 @!p0 s3, s7;
	s7 =	simm.s32 @!p0 $0x108  }
0x21: {  	s3 =	sadd.s32 s3, s9;
	s6 =	sadd.s32 @!p0 $0x88, s6;
	s7 =	simm.s32 @p2 $0x1082  }
0x22: {  	[simem:s7], [sflag:s8] =	dma.local @!p0 [hbm:s6], $0xF7A  }
0x23: {  	s9 =	sor.u32 $0xD0000000, s2;
	s6 =	simm.s32 $0x108;
	_ =	swait.ge @!p0 [sflag:s8], $0x0  }
0x24: {  	s3 =	sadd.s32 $0x88, s3;
	s6 =	simm.s32 @!p1 $0x1082;
	[sflag:s4] =	ssyncset.s32 $0xFFFFF086  }
0x25: {  	[simem:s6], [sflag:s4] =	dma.local [hbm:s3], $0xF7A  }
0x26: {  	[smem:$0x3F9F] =	sst s1;
	(tag) =	ssettag s2;
	_ =	strace s9  }
0x27: {  	s1 =	sld [smem:$0x3FAF]  }
0x28: {  	s2 =	sld [smem:$0x3FB0]  }
0x29: {  	s4 =	sld [smem:$0x3FB2]  }
0x2a: {  	p0 =	seq.s32 s5, $0x0;
	s5 =	sld [smem:$0x3FB3]  }
0x2b: {  	s6 =	sld [smem:$0x3FB4]  }
0x2c: {  	s7 =	sld [smem:$0x3FB5]  }
0x2d: {  	s3 =	simm.s32 $0x108;
	s8 =	sld [smem:$0x3FB6]  }
0x2e: {  	s3 =	simm.s32 @!p0 $0x1082;
	s9 =	sld [smem:$0x3FB7]  }
0x2f: {  	lr =	sadd.s32 s0, s3;
	s0 =	sld [smem:$0x3FAE]  }
0x30: {  	s3 =	sld [smem:$0x3FB1]  }
0x31: {  	[smem:$0x3FBA] =	sst s10  }
0x32: {  	s10 =	sld [smem:$0x3FB8];
	_ =	sdelay $0x3  }
0x33: {  	p0 =	seq.s32 s10, $0x1;
	s10 =	sld [smem:$0x3FBA];
	_ =	sdelay $0x3  }
0x34: {  	[smem:$0x3FBA] =	sst s10  }
0x35: {  	s10 =	sld [smem:$0x3FB9];
	_ =	sdelay $0x3  }
0x36: {  	p1 =	seq.s32 s10, $0x1;
	s10 =	sld [smem:$0x3FBA];
	_ =	sdelay $0x3  }
0x37: {  	[smem:$0x3FBA] =	sst s10  }
0x38: {  	s10 =	sld [smem:$0x3FBB]  }
0x39: {  	_ = 	snop;
	(pc) =	sbr.ind lr, $3  }
0x3a: {  	_ = 	snop  }
0x3b: {  	_ = 	snop  }
0x3c: {  	p2 =	seq.s32 s10, $0x1;
	s10 =	sld [smem:$0x3FBA]  }
0x3d: {  	_ =	shalt  }
0x3e: {  	_ =	shalt  }
0x3f: {  	_ =	shalt  }
0x40: {  	_ =	shalt  }
0x41: {  	_ =	shalt  }
0x42: {  	_ =	shalt  }
0x43: {  	_ =	shalt  }
0x44: {  	_ =	shalt  }
0x45: {  	_ =	shalt  }
0x46: {  	_ =	shalt  }
0x47: {  	_ =	shalt  }
0x48: {  	_ =	shalt  }
0x49: {  	_ =	shalt  }
0x4a: {  	_ =	shalt  }
0x4b: {  	_ =	shalt  }
0x4c: {  	_ =	shalt  }
0x4d: {  	_ =	shalt  }
0x4e: {  	_ =	shalt  }
0x4f: {  	_ =	shalt  }
0x50: {  	_ =	shalt  }
0x51: {  	_ =	shalt  }
0x52: {  	_ =	shalt  }
0x53: {  	_ =	shalt  }
0x54: {  	_ =	shalt  }
0x55: {  	_ =	shalt  }
0x56: {  	_ =	shalt  }
0x57: {  	_ =	shalt  }
0x58: {  	_ =	shalt  }
0x59: {  	_ =	shalt  }
0x5a: {  	_ =	shalt  }
0x5b: {  	_ =	shalt  }
0x5c: {  	_ =	shalt  }
0x5d: {  	_ =	shalt  }
0x5e: {  	_ =	shalt  }
0x5f: {  	_ =	shalt  }
0x60: {  	_ =	shalt  }
0x61: {  	_ =	shalt  }
0x62: {  	_ =	shalt  }
0x63: {  	_ =	shalt  }
0x64: {  	_ =	shalt  }
0x65: {  	_ =	shalt  }
0x66: {  	_ =	shalt  }
0x67: {  	_ =	shalt  }
0x68: {  	_ =	shalt  }
0x69: {  	_ =	shalt  }
0x6a: {  	_ =	shalt  }
0x6b: {  	_ =	shalt  }
0x6c: {  	_ =	shalt  }
0x6d: {  	_ =	shalt  }
0x6e: {  	_ =	shalt  }
0x6f: {  	_ =	shalt  }
0x70: {  	_ =	shalt  }
0x71: {  	_ =	shalt  }
0x72: {  	_ =	shalt  }
0x73: {  	_ =	shalt  }
0x74: {  	_ =	shalt  }
0x75: {  	_ =	shalt  }
0x76: {  	_ =	shalt  }
0x77: {  	_ =	shalt  }
0x78: {  	_ =	shalt  }
0x79: {  	_ =	shalt  }
0x7a: {  	_ =	shalt  }
0x7b: {  	_ =	shalt  }
0x7c: {  	_ =	shalt  }
0x7d: {  	_ =	shalt  }
0x7e: {  	_ =	shalt  }
0x7f: {  	_ =	shalt  }
0x80: {  	_ =	shalt  }
0x81: {  	_ =	shalt  }
0x82: {  	_ =	shalt  }
0x83: {  	_ =	shalt  }
0x84: {  	_ =	shalt  }
0x85: {  	_ =	shalt  }
0x86: {  	_ =	shalt  }
0x87: {  	_ =	shalt  }
.Lfunc_end0:
.L_simem_size_0:
called_computation_lowered:
.L_overlay_start_0:
0x88: {  	s2 =	sld [smem:$0x3FD9]  }
0x89: {  	s3 =	sld [smem:$0x3FFE];
	_ =	sdelay $0x1  }
0x8a: {  	s1 =	srdreg.scid  }
0x8b: {  	s0 =	sand.u32 $0x1, s1  }
0x8c: {  	s17 =	sshll.u32 s0, $0xA;
	s2 =	sadd.s32 s3, s2  }
0x8d: {  	s2 =	sadd.s32 s2, s17  }
0x8e: {  	[smem:$0x3FC6] =	sst s2  }
0x8f: {  	_ = 	snop  }
0x90: {  	s2 =	sld [smem:$0x3FD0];
	(tm) =	ssettm $0x1  }
0x91: {  	s18 =	sld [smem:$0x3FFB];
	_ =	sdelay $0x3  }
0x92: {  	_ =	strace s18  }
0x93: {  	s3 =	sld [smem:$0x3FFC];
	_ =	sdelay $0x3  }
0x94: {  	_ =	strace s3  }
0x95: {  	s3 =	sld [smem:$0x3FFD];
	_ =	sdelay $0x3  }
0x96: {  	_ =	strace s3  }
0x97: {  	_ =	strace $0x8FFFFFFF  }
0x98: {  	s19 =	sld [smem:$0x3FDB];
	_ =	sdelay $0x1  }
0x99: {  	s4 =	simm.s32 $_scs_section_size  }
0x9a: {  	s5 =	simm.s32 $_size__tile_overlayer_lowered;
	s6 =	simm.s32 $_tile_overlayer_lowered  }
0x9b: {  	s22 =	simm.s32 $0x1BFF;
	s21 =	sshll.u32 s6, $0x1;
	s3 =	sadd.s32 s4, s19  }
0x9c: {  	s7 =	simm.s32 $0x0;
	s20 =	sshll.u32 s5, $0x1;
	s5 =	sadd.s32 s21, s3  }
0x9d: {  	[timem:s7], [sflag:s22] =	dma.local [hbm:s5], s20  }
0x9e: {  	_ =	swait.ge [sflag:s22], s20  }
0x9f: {  	s4 =	ssub.s32 $0x0, s20;
	[sflag:s22] =	ssyncset.done $0x0  }
0xa0: {  	[sflag:s22] =	ssyncadd.s32 s4;
	_ =	sdelay $0x1  }
0xa1: {  	s23 =	simm.s32 $0x1B8B  }
0xa2: {  	_ =	swait.ge [sflag:s23], $0x1  }
0xa3: {  	[sflag:s23] =	ssyncset.done $0x0  }
0xa4: {  	s25 =	simm.s32 $0x1B8E;
	s24 =	sld [smem:$0x3FFE];
	[sflag:s23] =	ssyncadd.s32 $0xFFFFFFFF  }
0xa5: {  	s26 =	simm.s32 $execute0_lowered;
	[smem:$0x3FD2] =	sst s25  }
0xa6: {  	s5 =	sshll.u32 s26, $0x1;
	_ =	strace $0x80000046;
	[dreg:$0x1] =	wrdreg $0xFFFFFFFF  }
0xa7: {  	s28 =	simm.s32 $_size_execute0_lowered;
	s3 =	sadd.s32 s3, s5;
	[dreg:$0x0] =	wrdreg $0x0  }
0xa8: {  	s5 =	sshll.u32 s28, $0x1;
	[dreg:$0x2] =	wrdreg s3  }
0xa9: {  	[dreg:$0x3] =	wrdreg s5  }
0xaa: {  	[dreg:$0x4] =	wrdreg $0xC0  }
0xab: {  	_ =	task [dreg:s7], $0x5FFFF  }
0xac: {  	[dreg:$0x1] =	wrdreg $0xFFFFFFFF  }
0xad: {  	[dreg:$0x0] =	wrdreg $0x60  }
0xae: {  	[dreg:$0x2] =	wrdreg s24  }
0xaf: {  	[dreg:$0x3] =	wrdreg s2  }
0xb0: {  	[dreg:$0x4] =	wrdreg $0x9  }
0xb1: {  	_ =	task.clear_ibuf [dreg:s7], $0x5FFFF;
	_ =	strace $0x90000046  }
0xb2: {  	s29 =	simm.s32 $0x9;
	_ =	strace $0x80000048  }
0xb3: {  	_ =	swait.ge [sflag:s29], $0x1  }
0xb4: {  	[sflag:s29] =	ssyncadd.s32 $0xFFFFFFFF  }
0xb5: {  	_ =	strace $0x90000048  }
0xb6: {  	_ =	sfence  }
0xb7: {  	s30 =	sld [smem:$0x0];
	_ =	sdelay $0x2  }
0xb8: {  	s31 =	sshll.u32 s1, $0xD;
	s1 =	sshrl.u32 s1, $0x2  }
0xb9: {  	s3 =	sand.u32 $0x4000, s31;
	s1 =	sadd.s32 s1, s30  }
0xba: {  	s0 =	sor.u32 s3, s0;
	s1 =	sshll.u32 s1, $0x11  }
0xbb: {  	s0 =	sor.u32 s1, s0  }
0xbc: {  	s0 =	sadd.s32 $0x8F2B, s0  }
0xbd: {  	[sflag:s0] =	ssyncadd.remote.s32 $0x1  }
0xbe: {  	_ =	sfence.sel $0xFFFF  }
0xbf: {  	[dreg:$0x0] =	wrdreg $0xFFFFFFFF;
	(pc) =	sbr.abs _section_cstart, $3  }
0xc0: {  	[dreg:$0x1] =	wrdreg $0xFFFFFFFF  }
0xc1: {  	_ =	task.clear_ibuf [dreg:s7], $0x2FFFF;
	_ =	strace $0x9FFFFFFF  }
0xc2: {  	(tm) =	ssettm $0x7FFFFFFF  }
0xc3: {  	_ =	shalt  }
tec
execute0_lowered:
.L_overlay_start_1:
0x0: {  	(tag) =	ssettag $0x1  }
0x1: {  	s0 =	rddreg [dreg:$0x0]  }
0x2: {  	s1 =	rddreg [dreg:$0x1]  }
0x3: {  	s3 =	srdreg.scid;
	s8 =	stileid.u32  }
0x4: {  	s2 =	simm.s32 $0x0;
	s11 =	simm.s32 $0x480;
	s28 =	simm.s32 $0xC80  }
0x5: {  	s29 =	simm.s32 $0x1480;
	s31 =	simm.s32 $0x1;
	s22 =	simm.s32 $0x2  }
0x6: {  	s18 =	simm.s32 $0x7C80;
	s19 =	simm.s32 $0x8C80;
	s20 =	simm.s32 $0x9480  }
0x7: {  	s21 =	simm.s32 $0x9C80;
	s30 =	simm.s32 $0xA480;
	s9 =	simm.s32 $0xB480  }
0x8: {  	s10 =	simm.s32 $0xE480;
	s13 =	simm.s32 $0xEC80;
	s15 =	simm.s32 $0xF480  }
0x9: {  	s17 =	simm.s32 $0xFC80;
	s3 =	sand.u32 $0x1, s3;
	s4 =	sshll.u32 s8, $0x1  }
0xa: {  	[smem:$0x7FF] =	sst s2;
	s24 =	sshll.u32 s8, $0x12;
	s8 =	simm.s32 $0xD480  }
0xb: {  	s4 =	sor.u32 s3, s4;
	_ =	strace $0x80000047;
	s7 =	ssub.s32 $0x2, s3  }
0xc: {  	s3 =	sshll.u32 s3, $0x11;
	s5 =	sshll.u32 s4, $0xC;
	s6 =	sshll.u32 s4, $0x7  }
0xd: {  	s23 =	sshrl.u32 s7, $0x1;
	s4 =	sshll.u32 s4, $0x11;
	s5 =	sadd.s32 s5, s0  }
0xe: {  	s6 =	sadd.s32 s6, s0;
	s0 =	sadd.s32 $0x400, s0;
	s4 =	sadd.s32 s1, s4  }
0xf: {  	[dreg:$0x4] =	wrdreg s0;
	s0 =	ssub.s32 s7, s23;
	s6 =	sadd.s32 $0x600, s6  }
0x10: {  	s5 =	sadd.s32 $0x1600, s5;
	[dreg:$0x6] =	wrdreg s4;
	s26 =	sadd.s32 $0x1000, s4  }
0x11: {  	s23 =	simm.s32 $0x3;
	s4 =	simm.s32 $0xC480;
	[dreg:$0x5] =	wrdreg s6  }
0x12: {  	s7 =	simm.s32 $0xCC80;
	s6 =	sadd.s32 s24, s1;
	[dreg:$0x7] =	wrdreg s26  }
0x13: {  	s0 =	smax.u32 s0, $0x1;
	s12 =	sadd.s32 $0x100, s5;
	s14 =	sadd.s32 $0x200, s5  }
0x14: {  	v2 =	vlaneseq.u32;
	s16 =	sadd.s32 $0x300, s5;
	s24 =	simm.s32 $0x4;
	s1 =	simm.s32 $0x0  }
0x15: {  	vm0 =	vmmov $0xffff;
	v1 =	vshrl.u32 v2, $0x3;
	s25 =	sadd.s32 s3, s6;
	[dreg:$0x8] =	wrdreg s0;
	s0 =	simm.s32 $0x8480  }
0x16: {  	v0 =	vand.u32 $0x7, v2;
	v2 =	vor.u32 $0x8, v2;
	v1 =	vmul.u32 $0x8, v1;
	s3 =	simm.s32 $0xBC80;
	s6 =	simm.s32 $0xDC80;
	[dreg:$0x3] =	wrdreg s25  }
.LBB2_1:
0x17: {  	s25 =	rddreg [dreg:$0x4];
	s26 =	simm.s32 $0x400  }
0x18: {  	[tilespmem:s26], [sflag:$0x5] =	stream.linear.gather [hbm4b:s25+s2], $0x80, $0x38;
	[tilespmem:$0x10480] =	vst v63  }
0x19: {  	[dreg:$0x9] =	wrdreg s1;
	s26 =	simm.s32 $0x5  }
0x1a: {  	_ =	swait.ge [sflag:s26], $0x80  }
0x1b: {  	[sflag:s26] =	ssyncset.done $0x0  }
0x1c: {  	s1 =	rddreg [dreg:$0x5];
	[sflag:s26] =	ssyncadd.s32 $0xFFFFFF80  }
0x1d: {  	[tilespmem:s2], [sflag:$0x5] =	stream.linear.gather [hbm4b:s1+s2], $0x400, $0x38;
	[tilespmem:$0x10480] =	vst v63  }
0x1e: {  	_ =	swait.ge [sflag:s26], $0x400  }
0x1f: {  	[sflag:s26] =	ssyncset.done $0x0  }
0x20: {  	[sflag:s26] =	ssyncadd.s32 $0xFFFFFC00  }
0x21: {  	s25 =	simm.s32 $0x0;
	s26 =	simm.s32 $0x40;
	v3 =	vld [tilespmem:$0x400]  }
.LBB2_2:
0x22: {  	p0 =	sne.s32 s26, $0xFC0;
	v4 =	vld [tilespmem:s25+$0x0];
	_ =	sdelay $0x1  }
.Ltmp0:
0x23: {  	(pc) =	sbr.rel @p0 .LBB2_2-.Ltmp0, $3  }
0x24: {  	_ =	sdelay $0x1  }
0x25: {  	v4 =	vadd.s32 v3, v4  }
0x26: {  	[tilespmem:s25+$0x0] =	vst v4;
	s25 =	sshra.s32 s26, $0x2;
	s26 =	sadd.s32 $0x40, s26  }
0x27: {  	v4 =	vld [tilespmem:s25+$0x0];
	_ =	sdelay $0x4  }
0x28: {  	v3 =	vadd.s32 v3, v4  }
0x29: {  	[tilespmem:s25+$0x0] =	vst v3  }
0x2a: {  	v3 =	vld [tilespmem:$0x0];
	_ =	sdelay $0x4  }
0x2b: {  	v60 =	vshll.u32 v3, $0x3  }
0x2c: {  	v3 =	vand.u32 $0x7, v3;
	v4 =	vand.u32 $0xFFFFFFC0, v60  }
0x2d: {  	v3 =	vor.u32 v3, v4  }
0x2e: {  	v4 =	vperm.xlane v3, v0;
	_ =	sdelay $0x1  }
0x2f: {  	v4 =	vadd.s32 v1, v4;
	_ =	sdelay $0x4  }
0x30: {  	[tilespmem:s11], [sflag:$0x1] =	stream.indirect_vreg.gather [hbm4b:s5+s2], $0x80, v4, vm0, $0xb8;
	[tilespmem:$0x10480] =	vst v63  }
0x31: {  	v3 =	vperm.xlane v3, v2  }
0x32: {  	[tilespmem:s28], [sflag:$0x1] =	stream.indirect_vreg.gather [hbm4b:s12+s2], $0x80, v4, vm0, $0xb8;
	[tilespmem:$0x10480] =	vst v63  }
0x33: {  	v3 =	vadd.s32 v1, v3  }
0x34: {  	[tilespmem:s29], [sflag:$0x1] =	stream.indirect_vreg.gather [hbm4b:s14+s2], $0x80, v4, vm0, $0xb8;
	[tilespmem:$0x10480] =	vst v63  }
0x35: {  	s1 =	simm.s32 $0x1C80  }
0x36: {  	[tilespmem:s1], [sflag:$0x1] =	stream.indirect_vreg.gather [hbm4b:s16+s2], $0x80, v4, vm0, $0xb8;
	[tilespmem:$0x10480] =	vst v63  }
0x37: {  	s26 =	simm.s32 $0x2480  }
0x38: {  	[tilespmem:s26], [sflag:$0x1] =	stream.indirect_vreg.gather [hbm4b:s5+s2], $0x80, v3, vm0, $0xb8;
	[tilespmem:$0x10480] =	vst v63  }
0x39: {  	s25 =	simm.s32 $0x2C80  }
0x3a: {  	[tilespmem:s25], [sflag:$0x1] =	stream.indirect_vreg.gather [hbm4b:s12+s2], $0x80, v3, vm0, $0xb8;
	[tilespmem:$0x10480] =	vst v63  }
0x3b: {  	s26 =	simm.s32 $0x3480  }
0x3c: {  	[tilespmem:s26], [sflag:$0x1] =	stream.indirect_vreg.gather [hbm4b:s14+s2], $0x80, v3, vm0, $0xb8;
	[tilespmem:$0x10480] =	vst v63  }
0x3d: {  	s25 =	simm.s32 $0x3C80  }
0x3e: {  	[tilespmem:s25], [sflag:$0x1] =	stream.indirect_vreg.gather [hbm4b:s16+s2], $0x80, v3, vm0, $0xb8;
	[tilespmem:$0x10480] =	vst v63  }
0x3f: {  	v3 =	vld [tilespmem:$0x10];
	_ =	sdelay $0x4  }
0x40: {  	v61 =	vshll.u32 v3, $0x3  }
0x41: {  	v3 =	vand.u32 $0x7, v3;
	v4 =	vand.u32 $0xFFFFFFC0, v61  }
0x42: {  	v3 =	vor.u32 v3, v4  }
0x43: {  	v4 =	vperm.xlane v3, v0;
	_ =	sdelay $0x1  }
0x44: {  	v4 =	vadd.s32 v1, v4;
	_ =	sdelay $0x3  }
0x45: {  	s26 =	simm.s32 $0x4480  }
0x46: {  	[tilespmem:s26], [sflag:$0x1] =	stream.indirect_vreg.gather [hbm4b:s5+s2], $0x80, v4, vm0, $0xb8;
	[tilespmem:$0x10480] =	vst v63  }
0x47: {  	s25 =	simm.s32 $0x4C80;
	v3 =	vperm.xlane v3, v2  }
0x48: {  	[tilespmem:s25], [sflag:$0x1] =	stream.indirect_vreg.gather [hbm4b:s12+s2], $0x80, v4, vm0, $0xb8;
	[tilespmem:$0x10480] =	vst v63  }
0x49: {  	v3 =	vadd.s32 v1, v3;
	s26 =	simm.s32 $0x5480  }
0x4a: {  	[tilespmem:s26], [sflag:$0x1] =	stream.indirect_vreg.gather [hbm4b:s14+s2], $0x80, v4, vm0, $0xb8;
	[tilespmem:$0x10480] =	vst v63  }
0x4b: {  	s25 =	simm.s32 $0x5C80  }
0x4c: {  	[tilespmem:s25], [sflag:$0x1] =	stream.indirect_vreg.gather [hbm4b:s16+s2], $0x80, v4, vm0, $0xb8;
	[tilespmem:$0x10480] =	vst v63  }
0x4d: {  	s26 =	simm.s32 $0x6480  }
0x4e: {  	[tilespmem:s26], [sflag:$0x1] =	stream.indirect_vreg.gather [hbm4b:s5+s2], $0x80, v3, vm0, $0xb8;
	[tilespmem:$0x10480] =	vst v63  }
0x4f: {  	s25 =	simm.s32 $0x6C80  }
0x50: {  	[tilespmem:s25], [sflag:$0x1] =	stream.indirect_vreg.gather [hbm4b:s12+s2], $0x80, v3, vm0, $0xb8;
	[tilespmem:$0x10480] =	vst v63  }
0x51: {  	s26 =	simm.s32 $0x7480  }
0x52: {  	[tilespmem:s26], [sflag:$0x1] =	stream.indirect_vreg.gather [hbm4b:s14+s2], $0x80, v3, vm0, $0xb8;
	[tilespmem:$0x10480] =	vst v63  }
0x53: {  	_ = 	snop  }
0x54: {  	[tilespmem:s18], [sflag:$0x1] =	stream.indirect_vreg.gather [hbm4b:s16+s2], $0x80, v3, vm0, $0xb8;
	[tilespmem:$0x10480] =	vst v63  }
0x55: {  	_ =	swait.ge [sflag:s31], $0x8000  }
0x56: {  	[sflag:s31] =	ssyncset.done $0x0  }
0x57: {  	s1 =	rddreg [dreg:$0x6];
	[sflag:s31] =	ssyncadd.s32 $0xFFFF8000  }
0x58: {  	[hbm4b:s1+s2] =	stream.linear.scatter [tilespmem:s11], [sflag:$0x3], $0x8000, $0x38;
	[tilespmem:$0x10480] =	vst v63  }
0x59: {  	v3 =	vld [tilespmem:$0x20];
	_ =	sdelay $0x4  }
0x5a: {  	v62 =	vshll.u32 v3, $0x3  }
0x5b: {  	v3 =	vand.u32 $0x7, v3;
	v4 =	vand.u32 $0xFFFFFFC0, v62  }
0x5c: {  	v3 =	vor.u32 v3, v4  }
0x5d: {  	v4 =	vperm.xlane v3, v0;
	_ =	sdelay $0x1  }
0x5e: {  	v4 =	vadd.s32 v1, v4;
	_ =	sdelay $0x4  }
0x5f: {  	[tilespmem:s0], [sflag:$0x2] =	stream.indirect_vreg.gather [hbm4b:s5+s2], $0x80, v4, vm0, $0xb8;
	[tilespmem:$0x10480] =	vst v63  }
0x60: {  	v3 =	vperm.xlane v3, v2  }
0x61: {  	[tilespmem:s19], [sflag:$0x2] =	stream.indirect_vreg.gather [hbm4b:s12+s2], $0x80, v4, vm0, $0xb8;
	[tilespmem:$0x10480] =	vst v63  }
0x62: {  	v3 =	vadd.s32 v1, v3  }
0x63: {  	[tilespmem:s20], [sflag:$0x2] =	stream.indirect_vreg.gather [hbm4b:s14+s2], $0x80, v4, vm0, $0xb8;
	[tilespmem:$0x10480] =	vst v63  }
0x64: {  	_ = 	snop  }
0x65: {  	[tilespmem:s21], [sflag:$0x2] =	stream.indirect_vreg.gather [hbm4b:s16+s2], $0x80, v4, vm0, $0xb8;
	[tilespmem:$0x10480] =	vst v63  }
0x66: {  	_ = 	snop  }
0x67: {  	[tilespmem:s30], [sflag:$0x2] =	stream.indirect_vreg.gather [hbm4b:s5+s2], $0x80, v3, vm0, $0xb8;
	[tilespmem:$0x10480] =	vst v63  }
0x68: {  	s1 =	simm.s32 $0xAC80  }
0x69: {  	[tilespmem:s1], [sflag:$0x2] =	stream.indirect_vreg.gather [hbm4b:s12+s2], $0x80, v3, vm0, $0xb8;
	[tilespmem:$0x10480] =	vst v63  }
0x6a: {  	_ = 	snop  }
0x6b: {  	[tilespmem:s9], [sflag:$0x2] =	stream.indirect_vreg.gather [hbm4b:s14+s2], $0x80, v3, vm0, $0xb8;
	[tilespmem:$0x10480] =	vst v63  }
0x6c: {  	_ = 	snop  }
0x6d: {  	[tilespmem:s3], [sflag:$0x2] =	stream.indirect_vreg.gather [hbm4b:s16+s2], $0x80, v3, vm0, $0xb8;
	[tilespmem:$0x10480] =	vst v63  }
0x6e: {  	v3 =	vld [tilespmem:$0x30];
	_ =	sdelay $0x4  }
0x6f: {  	v63 =	vshll.u32 v3, $0x3  }
0x70: {  	v3 =	vand.u32 $0x7, v3;
	v4 =	vand.u32 $0xFFFFFFC0, v63  }
0x71: {  	v3 =	vor.u32 v3, v4  }
0x72: {  	v4 =	vperm.xlane v3, v0;
	_ =	sdelay $0x1  }
0x73: {  	v4 =	vadd.s32 v1, v4;
	_ =	sdelay $0x4  }
0x74: {  	[tilespmem:s4], [sflag:$0x2] =	stream.indirect_vreg.gather [hbm4b:s5+s2], $0x80, v4, vm0, $0xb8;
	[tilespmem:$0x10480] =	vst v63  }
0x75: {  	v3 =	vperm.xlane v3, v2  }
0x76: {  	[tilespmem:s7], [sflag:$0x2] =	stream.indirect_vreg.gather [hbm4b:s12+s2], $0x80, v4, vm0, $0xb8;
	[tilespmem:$0x10480] =	vst v63  }
0x77: {  	v3 =	vadd.s32 v1, v3  }
0x78: {  	[tilespmem:s8], [sflag:$0x2] =	stream.indirect_vreg.gather [hbm4b:s14+s2], $0x80, v4, vm0, $0xb8;
	[tilespmem:$0x10480] =	vst v63  }
0x79: {  	_ = 	snop  }
0x7a: {  	[tilespmem:s6], [sflag:$0x2] =	stream.indirect_vreg.gather [hbm4b:s16+s2], $0x80, v4, vm0, $0xb8;
	[tilespmem:$0x10480] =	vst v63  }
0x7b: {  	_ = 	snop  }
0x7c: {  	[tilespmem:s10], [sflag:$0x2] =	stream.indirect_vreg.gather [hbm4b:s5+s2], $0x80, v3, vm0, $0xb8;
	[tilespmem:$0x10480] =	vst v63  }
0x7d: {  	_ = 	snop  }
0x7e: {  	[tilespmem:s13], [sflag:$0x2] =	stream.indirect_vreg.gather [hbm4b:s12+s2], $0x80, v3, vm0, $0xb8;
	[tilespmem:$0x10480] =	vst v63  }
0x7f: {  	_ = 	snop  }
0x80: {  	[tilespmem:s15], [sflag:$0x2] =	stream.indirect_vreg.gather [hbm4b:s14+s2], $0x80, v3, vm0, $0xb8;
	[tilespmem:$0x10480] =	vst v63  }
0x81: {  	_ = 	snop  }
0x82: {  	[tilespmem:s17], [sflag:$0x2] =	stream.indirect_vreg.gather [hbm4b:s16+s2], $0x80, v3, vm0, $0xb8;
	[tilespmem:$0x10480] =	vst v63  }
0x83: {  	_ =	swait.ge [sflag:s22], $0x8000  }
0x84: {  	[sflag:s22] =	ssyncset.done $0x0  }
0x85: {  	s26 =	rddreg [dreg:$0x7];
	[sflag:s22] =	ssyncadd.s32 $0xFFFF8000  }
0x86: {  	[hbm4b:s26+s2] =	stream.linear.scatter [tilespmem:s0], [sflag:$0x4], $0x8000, $0x38;
	[tilespmem:$0x10480] =	vst v63  }
0x87: {  	s25 =	simm.s32 $0xFFFE2000;
	s26 =	simm.s32 $0x70  }
.LBB2_4:
0x88: {  	_ =	swait.ge [sflag:s23], $0x8000  }
0x89: {  	[sflag:s23] =	ssyncset.done $0x0  }
0x8a: {  	[sflag:s23] =	ssyncadd.s32 $0xFFFF8000  }
0x8b: {  	v3 =	vld [tilespmem:s26+$0xFFFFFFD0];
	_ =	sdelay $0x4  }
0x8c: {  	v4 =	vshll.u32 v3, $0x3  }
0x8d: {  	v3 =	vand.u32 $0x7, v3;
	v4 =	vand.u32 $0xFFFFFFC0, v4  }
0x8e: {  	v3 =	vor.u32 v3, v4  }
0x8f: {  	v4 =	vperm.xlane v3, v0;
	_ =	sdelay $0x1  }
0x90: {  	v4 =	vadd.s32 v1, v4;
	_ =	sdelay $0x4  }
0x91: {  	[tilespmem:s11], [sflag:$0x1] =	stream.indirect_vreg.gather [hbm4b:s5+s2], $0x80, v4, vm0, $0xb8;
	[tilespmem:$0x10480] =	vst v63  }
0x92: {  	v3 =	vperm.xlane v3, v2  }
0x93: {  	[tilespmem:s28], [sflag:$0x1] =	stream.indirect_vreg.gather [hbm4b:s12+s2], $0x80, v4, vm0, $0xb8;
	[tilespmem:$0x10480] =	vst v63  }
0x94: {  	v3 =	vadd.s32 v1, v3  }
0x95: {  	[tilespmem:s29], [sflag:$0x1] =	stream.indirect_vreg.gather [hbm4b:s14+s2], $0x80, v4, vm0, $0xb8;
	[tilespmem:$0x10480] =	vst v63  }
0x96: {  	s28 =	simm.s32 $0x1C80  }
0x97: {  	[tilespmem:s28], [sflag:$0x1] =	stream.indirect_vreg.gather [hbm4b:s16+s2], $0x80, v4, vm0, $0xb8;
	[tilespmem:$0x10480] =	vst v63  }
0x98: {  	s28 =	simm.s32 $0x2480  }
0x99: {  	[tilespmem:s28], [sflag:$0x1] =	stream.indirect_vreg.gather [hbm4b:s5+s2], $0x80, v3, vm0, $0xb8;
	[tilespmem:$0x10480] =	vst v63  }
0x9a: {  	s28 =	simm.s32 $0x2C80  }
0x9b: {  	[tilespmem:s28], [sflag:$0x1] =	stream.indirect_vreg.gather [hbm4b:s12+s2], $0x80, v3, vm0, $0xb8;
	[tilespmem:$0x10480] =	vst v63  }
0x9c: {  	s28 =	simm.s32 $0x3480  }
0x9d: {  	[tilespmem:s28], [sflag:$0x1] =	stream.indirect_vreg.gather [hbm4b:s14+s2], $0x80, v3, vm0, $0xb8;
	[tilespmem:$0x10480] =	vst v63  }
0x9e: {  	s28 =	simm.s32 $0x3C80  }
0x9f: {  	[tilespmem:s28], [sflag:$0x1] =	stream.indirect_vreg.gather [hbm4b:s16+s2], $0x80, v3, vm0, $0xb8;
	[tilespmem:$0x10480] =	vst v63  }
0xa0: {  	v3 =	vld [tilespmem:s26+$0xFFFFFFE0];
	_ =	sdelay $0x4  }
0xa1: {  	v61 =	vshll.u32 v3, $0x3  }
0xa2: {  	v3 =	vand.u32 $0x7, v3;
	v4 =	vand.u32 $0xFFFFFFC0, v61  }
0xa3: {  	v3 =	vor.u32 v3, v4  }
0xa4: {  	v4 =	vperm.xlane v3, v0;
	_ =	sdelay $0x1  }
0xa5: {  	v4 =	vadd.s32 v1, v4;
	_ =	sdelay $0x3  }
0xa6: {  	s28 =	simm.s32 $0x4480  }
0xa7: {  	[tilespmem:s28], [sflag:$0x1] =	stream.indirect_vreg.gather [hbm4b:s5+s2], $0x80, v4, vm0, $0xb8;
	[tilespmem:$0x10480] =	vst v63  }
0xa8: {  	v3 =	vperm.xlane v3, v2;
	s28 =	simm.s32 $0x4C80  }
0xa9: {  	[tilespmem:s28], [sflag:$0x1] =	stream.indirect_vreg.gather [hbm4b:s12+s2], $0x80, v4, vm0, $0xb8;
	[tilespmem:$0x10480] =	vst v63  }
0xaa: {  	v3 =	vadd.s32 v1, v3;
	s28 =	simm.s32 $0x5480  }
0xab: {  	[tilespmem:s28], [sflag:$0x1] =	stream.indirect_vreg.gather [hbm4b:s14+s2], $0x80, v4, vm0, $0xb8;
	[tilespmem:$0x10480] =	vst v63  }
0xac: {  	s28 =	simm.s32 $0x5C80  }
0xad: {  	[tilespmem:s28], [sflag:$0x1] =	stream.indirect_vreg.gather [hbm4b:s16+s2], $0x80, v4, vm0, $0xb8;
	[tilespmem:$0x10480] =	vst v63  }
0xae: {  	s28 =	simm.s32 $0x6480  }
0xaf: {  	[tilespmem:s28], [sflag:$0x1] =	stream.indirect_vreg.gather [hbm4b:s5+s2], $0x80, v3, vm0, $0xb8;
	[tilespmem:$0x10480] =	vst v63  }
0xb0: {  	s28 =	simm.s32 $0x6C80  }
0xb1: {  	[tilespmem:s28], [sflag:$0x1] =	stream.indirect_vreg.gather [hbm4b:s12+s2], $0x80, v3, vm0, $0xb8;
	[tilespmem:$0x10480] =	vst v63  }
0xb2: {  	s28 =	simm.s32 $0x7480  }
0xb3: {  	[tilespmem:s28], [sflag:$0x1] =	stream.indirect_vreg.gather [hbm4b:s14+s2], $0x80, v3, vm0, $0xb8;
	[tilespmem:$0x10480] =	vst v63  }
0xb4: {  	_ = 	snop  }
0xb5: {  	[tilespmem:s18], [sflag:$0x1] =	stream.indirect_vreg.gather [hbm4b:s16+s2], $0x80, v3, vm0, $0xb8;
	[tilespmem:$0x10480] =	vst v63  }
0xb6: {  	_ =	swait.ge [sflag:s31], $0x8000  }
0xb7: {  	s28 =	rddreg [dreg:$0x3]  }
0xb8: {  	[sflag:s31] =	ssyncset.done $0x0;
	s28 =	sadd.s32 s25, s28  }
0xb9: {  	[sflag:s31] =	ssyncadd.s32 $0xFFFF8000;
	s29 =	sadd.s32 $0x20000, s28  }
0xba: {  	[hbm4b:s29+s2] =	stream.linear.scatter [tilespmem:s11], [sflag:$0x3], $0x8000, $0x38;
	[tilespmem:$0x10480] =	vst v63  }
0xbb: {  	_ =	swait.ge [sflag:s24], $0x8000  }
0xbc: {  	[sflag:s24] =	ssyncset.done $0x0  }
0xbd: {  	[sflag:s24] =	ssyncadd.s32 $0xFFFF8000  }
0xbe: {  	v3 =	vld [tilespmem:s26+$0xFFFFFFF0];
	_ =	sdelay $0x4  }
0xbf: {  	v62 =	vshll.u32 v3, $0x3  }
0xc0: {  	v3 =	vand.u32 $0x7, v3;
	v4 =	vand.u32 $0xFFFFFFC0, v62  }
0xc1: {  	v3 =	vor.u32 v3, v4  }
0xc2: {  	v4 =	vperm.xlane v3, v0;
	_ =	sdelay $0x1  }
0xc3: {  	v4 =	vadd.s32 v1, v4;
	_ =	sdelay $0x4  }
0xc4: {  	[tilespmem:s0], [sflag:$0x2] =	stream.indirect_vreg.gather [hbm4b:s5+s2], $0x80, v4, vm0, $0xb8;
	[tilespmem:$0x10480] =	vst v63  }
0xc5: {  	v3 =	vperm.xlane v3, v2  }
0xc6: {  	[tilespmem:s19], [sflag:$0x2] =	stream.indirect_vreg.gather [hbm4b:s12+s2], $0x80, v4, vm0, $0xb8;
	[tilespmem:$0x10480] =	vst v63  }
0xc7: {  	v3 =	vadd.s32 v1, v3  }
0xc8: {  	[tilespmem:s20], [sflag:$0x2] =	stream.indirect_vreg.gather [hbm4b:s14+s2], $0x80, v4, vm0, $0xb8;
	[tilespmem:$0x10480] =	vst v63  }
0xc9: {  	_ = 	snop  }
0xca: {  	[tilespmem:s21], [sflag:$0x2] =	stream.indirect_vreg.gather [hbm4b:s16+s2], $0x80, v4, vm0, $0xb8;
	[tilespmem:$0x10480] =	vst v63  }
0xcb: {  	_ = 	snop  }
0xcc: {  	[tilespmem:s30], [sflag:$0x2] =	stream.indirect_vreg.gather [hbm4b:s5+s2], $0x80, v3, vm0, $0xb8;
	[tilespmem:$0x10480] =	vst v63  }
0xcd: {  	_ = 	snop  }
0xce: {  	[tilespmem:s1], [sflag:$0x2] =	stream.indirect_vreg.gather [hbm4b:s12+s2], $0x80, v3, vm0, $0xb8;
	[tilespmem:$0x10480] =	vst v63  }
0xcf: {  	_ = 	snop  }
0xd0: {  	[tilespmem:s9], [sflag:$0x2] =	stream.indirect_vreg.gather [hbm4b:s14+s2], $0x80, v3, vm0, $0xb8;
	[tilespmem:$0x10480] =	vst v63  }
0xd1: {  	_ = 	snop  }
0xd2: {  	[tilespmem:s3], [sflag:$0x2] =	stream.indirect_vreg.gather [hbm4b:s16+s2], $0x80, v3, vm0, $0xb8;
	[tilespmem:$0x10480] =	vst v63  }
0xd3: {  	v3 =	vld [tilespmem:s26+$0x0];
	_ =	sdelay $0x4  }
0xd4: {  	v63 =	vshll.u32 v3, $0x3  }
0xd5: {  	v3 =	vand.u32 $0x7, v3;
	v4 =	vand.u32 $0xFFFFFFC0, v63  }
0xd6: {  	v3 =	vor.u32 v3, v4  }
0xd7: {  	v4 =	vperm.xlane v3, v0;
	_ =	sdelay $0x1  }
0xd8: {  	v4 =	vadd.s32 v1, v4;
	_ =	sdelay $0x4  }
0xd9: {  	[tilespmem:s4], [sflag:$0x2] =	stream.indirect_vreg.gather [hbm4b:s5+s2], $0x80, v4, vm0, $0xb8;
	[tilespmem:$0x10480] =	vst v63  }
0xda: {  	v3 =	vperm.xlane v3, v2  }
0xdb: {  	[tilespmem:s7], [sflag:$0x2] =	stream.indirect_vreg.gather [hbm4b:s12+s2], $0x80, v4, vm0, $0xb8;
	[tilespmem:$0x10480] =	vst v63  }
0xdc: {  	v3 =	vadd.s32 v1, v3  }
0xdd: {  	[tilespmem:s8], [sflag:$0x2] =	stream.indirect_vreg.gather [hbm4b:s14+s2], $0x80, v4, vm0, $0xb8;
	[tilespmem:$0x10480] =	vst v63  }
0xde: {  	_ = 	snop  }
0xdf: {  	[tilespmem:s6], [sflag:$0x2] =	stream.indirect_vreg.gather [hbm4b:s16+s2], $0x80, v4, vm0, $0xb8;
	[tilespmem:$0x10480] =	vst v63  }
0xe0: {  	_ = 	snop  }
0xe1: {  	[tilespmem:s10], [sflag:$0x2] =	stream.indirect_vreg.gather [hbm4b:s5+s2], $0x80, v3, vm0, $0xb8;
	[tilespmem:$0x10480] =	vst v63  }
0xe2: {  	_ = 	snop  }
0xe3: {  	[tilespmem:s13], [sflag:$0x2] =	stream.indirect_vreg.gather [hbm4b:s12+s2], $0x80, v3, vm0, $0xb8;
	[tilespmem:$0x10480] =	vst v63  }
0xe4: {  	_ = 	snop  }
0xe5: {  	[tilespmem:s15], [sflag:$0x2] =	stream.indirect_vreg.gather [hbm4b:s14+s2], $0x80, v3, vm0, $0xb8;
	[tilespmem:$0x10480] =	vst v63  }
0xe6: {  	p0 =	sne.s32 s25, $0xFFFFE000  }
0xe7: {  	[tilespmem:s17], [sflag:$0x2] =	stream.indirect_vreg.gather [hbm4b:s16+s2], $0x80, v3, vm0, $0xb8;
	[tilespmem:$0x10480] =	vst v63  }
.Ltmp1:
0xe8: {  	_ =	swait.ge [sflag:s22], $0x8000;
	(pc) =	sbr.rel @p0 .LBB2_4-.Ltmp1, $4  }
0xe9: {  	[sflag:s22] =	ssyncset.done $0x0  }
0xea: {  	s25 =	sadd.s32 $0x2000, s25;
	s28 =	sadd.s32 $0x21000, s28;
	[sflag:s22] =	ssyncadd.s32 $0xFFFF8000  }
0xeb: {  	[hbm4b:s28+s2] =	stream.linear.scatter [tilespmem:s0], [sflag:$0x4], $0x8000, $0x38;
	[tilespmem:$0x10480] =	vst v63  }
0xec: {  	s29 =	simm.s32 $0x1480;
	s26 =	sadd.s32 $0x40, s26;
	s28 =	simm.s32 $0xC80  }
0xed: {  	_ =	swait.ge [sflag:s23], $0x8000  }
0xee: {  	[sflag:s23] =	ssyncset.done $0x0  }
0xef: {  	[sflag:s23] =	ssyncadd.s32 $0xFFFF8000  }
0xf0: {  	_ =	swait.ge [sflag:s24], $0x8000  }
0xf1: {  	s1 =	rddreg [dreg:$0x9]  }
0xf2: {  	s25 =	rddreg [dreg:$0x8];
	s1 =	sadd.s32 $0x1, s1  }
0xf3: {  	p0 =	sne.s32 s1, s25  }
.Ltmp2:
0xf4: {  	_ = 	snop;
	(pc) =	sbr.rel @p0 .LBB2_1-.Ltmp2, $3  }
0xf5: {  	_ =	sdelay $0x1  }
0xf6: {  	[sflag:s24] =	ssyncset.done $0x0  }
0xf7: {  	[sflag:s24] =	ssyncadd.s32 $0xFFFF8000  }
0xf8: {  	_ =	sfence.sel $0x180000  }
0xf9: {  	[bflag:$0x0] =	sbarrier.arrive $0xFFFF  }
0xfa: {  	_ =	strace $0x90000047  }
0xfb: {  	s0 =	stileid.u32;
	[bflag:$0x2] =	sbarrier.arrive $0xFFFF  }
0xfc: {  	p0 =	sne.s32 s0, $0x0;
	s0 =	rddreg [dreg:$0x2]  }
0xfd: {  	s0 =	sadd.s32 @!p0 $0x100000, s0  }
0xfe: {  	[sflag:s0] =	ssyncadd.tile.s32 @!p0 $0x1;
	_ =	shalt  }
.Lfunc_end2:
_tile_overlayer_lowered:
.L_overlay_start_2:
0xff: {  	(tag) =	ssettag $0x2  }
0x100: {  	s0 =	rddreg [dreg:$0x0];
	s2 =	stileid.u32  }
0x101: {  	s1 =	rddreg [dreg:$0x1];
	p0 =	sne.s32 s2, $0x0  }
0x102: {  	s3 =	rddreg [dreg:$0x2];
	[bflag:$0x3] =	sbarrier.arrive $0xFFFF;
	s2 =	simm.s32 @!p0 $0x1C05  }
0x103: {  	[timem:s3], [sflag:s2] =	dma.local @!p0 [hbm:s0], s1  }
0x104: {  	s0 =	simm.s32 @!p0 $0x5  }
0x105: {  	_ =	swait.ge @!p0 [sflag:s0], s1  }
0x106: {  	s1 =	ssub.s32 @!p0 $0x0, s1;
	[sflag:s0] =	ssyncset.done @!p0 $0x0  }
0x107: {  	[sflag:s0] =	ssyncadd.s32 @!p0 s1  }
0x108: {  	[bflag:$0x3] =	sbarrier.arrive $0xFFFF  }
0x109: {  	_ =	shalt  }

</sc_bundles>
